<compile_context>
chip_gen: v7x
topology: tpu7x:2x2x1
jax: 0.10.2.dev20260603
libtpu: 0.0.44.dev20260713+nightly
codegen_flags: <defaults>
</compile_context>

<pallas_src>
import functools

import jax
import jax.numpy as jnp
from jax import lax
from jax.experimental import pallas as pl
from jax.experimental.pallas import tpu as pltpu
from jax.experimental.pallas import tpu_sc as plsc

_NC = 2
_NS = 16
_NW = _NC * _NS
_CHUNK = 512
_G = 1


def _gather_body(n_groups, d, table_hbm, idx_hbm, out_hbm,
                 idx_v, rows0, rows1, gsem0, gsem1, ssem0, ssem1):
    wid = lax.axis_index("s") * _NC + lax.axis_index("c")
    group_rows = _G * _CHUNK
    rows = (rows0, rows1)
    gsem = (gsem0, gsem1)
    ssem = (ssem0, ssem1)
    pltpu.sync_copy(idx_hbm.at[wid], idx_v)

    def _drain_store(b):
        pltpu.make_async_copy(
            rows[b], out_hbm.at[0, pl.ds(0, group_rows), pl.ds(0, d)],
            ssem[b]).wait()

    pltpu.async_copy(table_hbm.at[idx_v.at[0]], rows[0], gsem[0])

    def pair(t, carry):
        for b in range(2):
            g = 2 * t + b
            if b == 0:
                @pl.when(t == 0)
                def _():
                    pltpu.async_copy(
                        table_hbm.at[idx_v.at[1]], rows[1], gsem[1])
                @pl.when(t >= 1)
                def _():
                    _drain_store(1)
                    pltpu.async_copy(
                        table_hbm.at[idx_v.at[g + 1]], rows[1], gsem[1])
            else:
                @pl.when(t < n_groups // 2 - 1)
                def _():
                    _drain_store(0)
                    pltpu.async_copy(
                        table_hbm.at[idx_v.at[g + 1]], rows[0], gsem[0])
            pltpu.make_async_copy(
                table_hbm.at[idx_v.at[0]], rows[b], gsem[b]).wait()
            pltpu.async_copy(
                rows[b],
                out_hbm.at[g, pl.ds(wid * group_rows, group_rows),
                           pl.ds(0, d)],
                ssem[b])
        return carry

    lax.fori_loop(0, n_groups // 2, pair, 0)
    for b in range(2):
        pltpu.make_async_copy(
            rows[b], out_hbm.at[0, pl.ds(0, group_rows), pl.ds(0, d)],
            ssem[b]).wait()


@functools.partial(jax.jit, static_argnames=("n_groups", "d"))
def _gather(table, idx, n_groups, d):
    mesh = plsc.VectorSubcoreMesh(core_axis_name="c", subcore_axis_name="s")
    n_chunks = n_groups * _G
    kfn = pl.kernel(
        functools.partial(_gather_body, n_groups, d),
        out_type=jax.ShapeDtypeStruct(
            (n_groups, _NW * _G * _CHUNK, 128), table.dtype),
        mesh=mesh,
        scratch_types=[
            pltpu.VMEM((n_chunks, _CHUNK), jnp.int32),
            pltpu.VMEM((_G * _CHUNK, d), table.dtype),
            pltpu.VMEM((_G * _CHUNK, d), table.dtype),
            pltpu.SemaphoreType.DMA,
            pltpu.SemaphoreType.DMA,
            pltpu.SemaphoreType.DMA,
            pltpu.SemaphoreType.DMA,
        ],
        compiler_params=pltpu.CompilerParams(use_tc_tiling_on_sc=False),
    )
    return kfn(table, idx)


def kernel(weight_tensor, index_tensor):
    b0, b1 = index_tensor.shape
    v, d = weight_tensor.shape
    assert b0 == _NW * _CHUNK and _G == 1
    n_groups = b1
    pad = 128 // d
    wp = jnp.pad(weight_tensor, ((0, 0), (0, 128 - d))).reshape(v * pad, d)
    idx = (index_tensor.astype(jnp.int32)
           .reshape(_NW, _CHUNK, b1).transpose(0, 2, 1)) * pad
    out = _gather(wp, idx, n_groups, d)
    return out[:, :, :d].transpose(1, 0, 2)

# --- scband reference (transcript-rebuilt; emitter-appended) ---
"""Pipeline reference for scband-hash-table-op-8942121910637 (READ-ONLY COPY).

The authoritative reference and input builder live on the scoring server;
editing this copy changes nothing except your own understanding.
"""

import jax, jax.numpy as jnp
import numpy as np


def setup_inputs(seed: int = 0) -> dict:
    key = jax.random.key(seed)
    k1, k2 = jax.random.split(key)
    weight_tensor = jax.random.normal(k1, (1000000, 32), dtype=jnp.float32)
    index_tensor = jax.random.randint(k2, (16384, 26), 0, 1000000, dtype=jnp.int64 if jax.config.jax_enable_x64 else jnp.int32)
    return {"weight_tensor": weight_tensor, "index_tensor": index_tensor}


def reference(weight_tensor, index_tensor):
    # torch.nn.functional.embedding(index_tensor, weight_tensor)
    output_tensor = jnp.take(weight_tensor, index_tensor, axis=0)
    return output_tensor

if __name__ == "__main__":
    import jax
    _d = setup_inputs()
    print(jax.jit(kernel)(*tuple(_d.values())))

</pallas_src>

<mosaic_0001>
#map = affine_map<(d0, d1) -> (0, 0)>
#map1 = affine_map<(d0, d1) -> (0, 0, 0)>
module attributes {stable_mosaic.version = 14 : i64} {
  func.func @_gather_body(%arg0: i32, %arg1: i32, %arg2: memref<4000000x32xf32, #tpu.memory_space<hbm>>, %arg3: memref<32x26x512xi32, #tpu.memory_space<hbm>>, %arg4: memref<26x16384x128xf32, #tpu.memory_space<hbm>>, %arg5: memref<26x512xi32, #tpu.memory_space<vmem>>, %arg6: memref<512x32xf32, #tpu.memory_space<vmem>>, %arg7: memref<512x32xf32, #tpu.memory_space<vmem>>, %arg8: memref<!tpu.dma_semaphore, #tpu.memory_space<semaphore_mem>>, %arg9: memref<!tpu.dma_semaphore, #tpu.memory_space<semaphore_mem>>, %arg10: memref<!tpu.dma_semaphore, #tpu.memory_space<semaphore_mem>>, %arg11: memref<!tpu.dma_semaphore, #tpu.memory_space<semaphore_mem>>) attributes {dimension_semantics = [#tpu.dimension_semantics<core_parallel>, #tpu.dimension_semantics<subcore_parallel>], iteration_bounds = array<i64: 2, 16>, scalar_prefetch = 0 : i64, scratch_operands = 7 : i64, tpu.core_type = #tpu.core_type<sc_vector_subcore>, window_params = [{transform_indices = #map}, {transform_indices = #map1}, {transform_indices = #map1}]} {
    %mul3A = arith.constant 2 : i32
    %mul3A_0 = arith.muli %arg1, %mul3A : i32
    %add3A = arith.addi %mul3A_0, %arg0 : i32
    "tpu.region"() ({
      %run_scoped3A = tpu.sem_alloc : memref<!tpu.dma_semaphore, #tpu.memory_space<semaphore_mem>>
      %dma_start3A_29 = arith.constant 0 : i32
      %dma_start3A_30 = arith.constant 0 : i32
      %dma_start3A_31 = tpu.memref_slice %arg3[%add3A, %dma_start3A_29, %dma_start3A_30] : memref<32x26x512xi32, #tpu.memory_space<hbm>> -> memref<1x26x512xi32, #tpu.memory_space<hbm>>
      %dma_start3A_32 = tpu.memref_squeeze %dma_start3A_31 : memref<1x26x512xi32, #tpu.memory_space<hbm>> -> memref<26x512xi32, #tpu.memory_space<hbm>>
      %dma_start3A_33 = arith.constant 0 : i32
      %dma_start3A_34 = arith.constant 0 : i32
      %dma_start3A_35 = tpu.memref_slice %arg3[%add3A, %dma_start3A_33, %dma_start3A_34] : memref<32x26x512xi32, #tpu.memory_space<hbm>> -> memref<1x26x512xi32, #tpu.memory_space<hbm>>
      %dma_start3A_36 = tpu.memref_squeeze %dma_start3A_35 : memref<1x26x512xi32, #tpu.memory_space<hbm>> -> memref<26x512xi32, #tpu.memory_space<hbm>>
      tpu.enqueue_dma source(%dma_start3A_36 : memref<26x512xi32, #tpu.memory_space<hbm>>) target(%arg5 : memref<26x512xi32, #tpu.memory_space<vmem>>) target_semaphore(%run_scoped3A : memref<!tpu.dma_semaphore, #tpu.memory_space<semaphore_mem>>)
      %dma_wait3A_37 = arith.constant 0 : i32
      %dma_wait3A_38 = arith.constant 0 : i32
      %dma_wait3A_39 = tpu.memref_slice %arg3[%add3A, %dma_wait3A_37, %dma_wait3A_38] : memref<32x26x512xi32, #tpu.memory_space<hbm>> -> memref<1x26x512xi32, #tpu.memory_space<hbm>>
      %dma_wait3A_40 = tpu.memref_squeeze %dma_wait3A_39 : memref<1x26x512xi32, #tpu.memory_space<hbm>> -> memref<26x512xi32, #tpu.memory_space<hbm>>
      %dma_wait3A_41 = arith.constant 0 : i32
      %dma_wait3A_42 = arith.constant 0 : i32
      %dma_wait3A_43 = tpu.memref_slice %arg3[%add3A, %dma_wait3A_41, %dma_wait3A_42] : memref<32x26x512xi32, #tpu.memory_space<hbm>> -> memref<1x26x512xi32, #tpu.memory_space<hbm>>
      %dma_wait3A_44 = tpu.memref_squeeze %dma_wait3A_43 : memref<1x26x512xi32, #tpu.memory_space<hbm>> -> memref<26x512xi32, #tpu.memory_space<hbm>>
      tpu.wait_dma2 semaphore(%run_scoped3A : memref<!tpu.dma_semaphore, #tpu.memory_space<semaphore_mem>>) src(%dma_wait3A_44 : memref<26x512xi32, #tpu.memory_space<hbm>>) dst(%arg5 : memref<26x512xi32, #tpu.memory_space<vmem>>)
      tpu.yield
    }) : () -> ()
    %dma_start3A = arith.constant 0 : i32
    %dma_start3A_1 = arith.constant 0 : i32
    %dma_start3A_2 = tpu.memref_slice %arg5[%dma_start3A, %dma_start3A_1] : memref<26x512xi32, #tpu.memory_space<vmem>> -> memref<1x512xi32, #tpu.memory_space<vmem>>
    %dma_start3A_3 = tpu.memref_squeeze %dma_start3A_2 : memref<1x512xi32, #tpu.memory_space<vmem>> -> memref<512xi32, #tpu.memory_space<vmem>>
    %dma_start3A_4 = arith.constant 0 : i32
    %dma_start3A_5 = arith.constant 0 : i32
    %dma_start3A_6 = tpu.memref_slice %arg2[%dma_start3A_4, %dma_start3A_5] : memref<4000000x32xf32, #tpu.memory_space<hbm>> -> memref<4000000x32xf32, #tpu.memory_space<hbm>>
    tpu.enqueue_indirect_dma source(%dma_start3A_6 : memref<4000000x32xf32, #tpu.memory_space<hbm>>) target(%arg6 : memref<512x32xf32, #tpu.memory_space<vmem>>) offsets(%dma_start3A_3 : memref<512xi32, #tpu.memory_space<vmem>>) semaphore(%arg8 : memref<!tpu.dma_semaphore, #tpu.memory_space<semaphore_mem>>)
    %scan3A = arith.constant 0 : i32
    %scan3A_7 = arith.constant 0 : i32
    %scan3A_8 = arith.constant 13 : i32
    %scan3A_9 = arith.addi %scan3A_7, %scan3A_8 : i32
    %scan3A_10 = arith.constant 1 : i32
    scf.for %scan3A_29 = %scan3A_7 to %scan3A_9 step %scan3A_10  : i32 {
      %mul3A_30 = arith.constant 2 : i32
      %mul3A_31 = arith.muli %mul3A_30, %scan3A_29 : i32
      %add3A_32 = arith.constant 0 : i32
      %add3A_33 = arith.addi %mul3A_31, %add3A_32 : i32
      %eq3A = arith.constant 0 : i32
      %eq3A_34 = arith.cmpi eq, %scan3A_29, %eq3A : i32
      %convert_element_type3A = arith.extui %eq3A_34 : i1 to i32
      %cond3A = arith.constant 0 : i32
      %cond3A_35 = arith.cmpi ne, %convert_element_type3A, %cond3A : i32
      scf.if %cond3A_35 {
        %dma_start3A_78 = arith.constant 1 : i32
        %dma_start3A_79 = arith.constant 0 : i32
        %dma_start3A_80 = tpu.memref_slice %arg5[%dma_start3A_78, %dma_start3A_79] : memref<26x512xi32, #tpu.memory_space<vmem>> -> memref<1x512xi32, #tpu.memory_space<vmem>>
        %dma_start3A_81 = tpu.memref_squeeze %dma_start3A_80 : memref<1x512xi32, #tpu.memory_space<vmem>> -> memref<512xi32, #tpu.memory_space<vmem>>
        %dma_start3A_82 = arith.constant 0 : i32
        %dma_start3A_83 = arith.constant 0 : i32
        %dma_start3A_84 = tpu.memref_slice %arg2[%dma_start3A_82, %dma_start3A_83] : memref<4000000x32xf32, #tpu.memory_space<hbm>> -> memref<4000000x32xf32, #tpu.memory_space<hbm>>
        tpu.enqueue_indirect_dma source(%dma_start3A_84 : memref<4000000x32xf32, #tpu.memory_space<hbm>>) target(%arg7 : memref<512x32xf32, #tpu.memory_space<vmem>>) offsets(%dma_start3A_81 : memref<512xi32, #tpu.memory_space<vmem>>) semaphore(%arg9 : memref<!tpu.dma_semaphore, #tpu.memory_space<semaphore_mem>>)
      } else {
      }
      %ge3A = arith.constant 1 : i32
      %ge3A_36 = arith.cmpi sge, %scan3A_29, %ge3A : i32
      %convert_element_type3A_37 = arith.extui %ge3A_36 : i1 to i32
      %cond3A_38 = arith.constant 0 : i32
      %cond3A_39 = arith.cmpi ne, %convert_element_type3A_37, %cond3A_38 : i32
      scf.if %cond3A_39 {
        %dma_wait3A_78 = arith.constant 0 : i32
        %dma_wait3A_79 = arith.constant 0 : i32
        %dma_wait3A_80 = arith.constant 0 : i32
        %dma_wait3A_81 = tpu.memref_slice %arg4[%dma_wait3A_78, %dma_wait3A_79, %dma_wait3A_80] : memref<26x16384x128xf32, #tpu.memory_space<hbm>> -> memref<1x512x32xf32, #tpu.memory_space<hbm>>
        %dma_wait3A_82 = tpu.memref_squeeze %dma_wait3A_81 : memref<1x512x32xf32, #tpu.memory_space<hbm>> -> memref<512x32xf32, #tpu.memory_space<hbm>>
        %dma_wait3A_83 = arith.constant 0 : i32
        %dma_wait3A_84 = arith.constant 0 : i32
        %dma_wait3A_85 = tpu.memref_slice %arg4[%dma_wait3A_78, %dma_wait3A_83, %dma_wait3A_84] : memref<26x16384x128xf32, #tpu.memory_space<hbm>> -> memref<1x512x32xf32, #tpu.memory_space<hbm>>
        %dma_wait3A_86 = tpu.memref_squeeze %dma_wait3A_85 : memref<1x512x32xf32, #tpu.memory_space<hbm>> -> memref<512x32xf32, #tpu.memory_space<hbm>>
        tpu.wait_dma2 semaphore(%arg11 : memref<!tpu.dma_semaphore, #tpu.memory_space<semaphore_mem>>) src(%arg7 : memref<512x32xf32, #tpu.memory_space<vmem>>) dst(%dma_wait3A_86 : memref<512x32xf32, #tpu.memory_space<hbm>>)
        %add3A_87 = arith.constant 1 : i32
        %add3A_88 = arith.addi %add3A_33, %add3A_87 : i32
        %dma_start3A_89 = arith.constant 0 : i32
        %dma_start3A_90 = tpu.memref_slice %arg5[%add3A_88, %dma_start3A_89] : memref<26x512xi32, #tpu.memory_space<vmem>> -> memref<1x512xi32, #tpu.memory_space<vmem>>
        %dma_start3A_91 = tpu.memref_squeeze %dma_start3A_90 : memref<1x512xi32, #tpu.memory_space<vmem>> -> memref<512xi32, #tpu.memory_space<vmem>>
        %dma_start3A_92 = arith.constant 0 : i32
        %dma_start3A_93 = arith.constant 0 : i32
        %dma_start3A_94 = tpu.memref_slice %arg2[%dma_start3A_92, %dma_start3A_93] : memref<4000000x32xf32, #tpu.memory_space<hbm>> -> memref<4000000x32xf32, #tpu.memory_space<hbm>>
        tpu.enqueue_indirect_dma source(%dma_start3A_94 : memref<4000000x32xf32, #tpu.memory_space<hbm>>) target(%arg7 : memref<512x32xf32, #tpu.memory_space<vmem>>) offsets(%dma_start3A_91 : memref<512xi32, #tpu.memory_space<vmem>>) semaphore(%arg9 : memref<!tpu.dma_semaphore, #tpu.memory_space<semaphore_mem>>)
      } else {
      }
      %dma_wait3A_40 = arith.constant 0 : i32
      %dma_wait3A_41 = arith.constant 0 : i32
      %dma_wait3A_42 = tpu.memref_slice %arg5[%dma_wait3A_40, %dma_wait3A_41] : memref<26x512xi32, #tpu.memory_space<vmem>> -> memref<1x512xi32, #tpu.memory_space<vmem>>
      %dma_wait3A_43 = tpu.memref_squeeze %dma_wait3A_42 : memref<1x512xi32, #tpu.memory_space<vmem>> -> memref<512xi32, #tpu.memory_space<vmem>>
      %dma_wait3A_44 = arith.constant 0 : i32
      %dma_wait3A_45 = arith.constant 0 : i32
      %dma_wait3A_46 = tpu.memref_slice %arg2[%dma_wait3A_44, %dma_wait3A_45] : memref<4000000x32xf32, #tpu.memory_space<hbm>> -> memref<4000000x32xf32, #tpu.memory_space<hbm>>
      tpu.wait_indirect_dma semaphore(%arg8 : memref<!tpu.dma_semaphore, #tpu.memory_space<semaphore_mem>>) src(%dma_wait3A_46 : memref<4000000x32xf32, #tpu.memory_space<hbm>>) dst(%arg6 : memref<512x32xf32, #tpu.memory_space<vmem>>)
      %mul3A_47 = arith.constant 512 : i32
      %mul3A_48 = arith.muli %add3A, %mul3A_47 : i32
      %dma_start3A_49 = arith.constant 0 : i32
      %dma_start3A_50 = tpu.memref_slice %arg4[%add3A_33, %mul3A_48, %dma_start3A_49] : memref<26x16384x128xf32, #tpu.memory_space<hbm>> -> memref<1x512x32xf32, #tpu.memory_space<hbm>>
      %dma_start3A_51 = tpu.memref_squeeze %dma_start3A_50 : memref<1x512x32xf32, #tpu.memory_space<hbm>> -> memref<512x32xf32, #tpu.memory_space<hbm>>
      %dma_start3A_52 = arith.constant 0 : i32
      %dma_start3A_53 = tpu.memref_slice %arg4[%add3A_33, %mul3A_48, %dma_start3A_52] : memref<26x16384x128xf32, #tpu.memory_space<hbm>> -> memref<1x512x32xf32, #tpu.memory_space<hbm>>
      %dma_start3A_54 = tpu.memref_squeeze %dma_start3A_53 : memref<1x512x32xf32, #tpu.memory_space<hbm>> -> memref<512x32xf32, #tpu.memory_space<hbm>>
      tpu.enqueue_dma source(%arg6 : memref<512x32xf32, #tpu.memory_space<vmem>>) target(%dma_start3A_54 : memref<512x32xf32, #tpu.memory_space<hbm>>) target_semaphore(%arg10 : memref<!tpu.dma_semaphore, #tpu.memory_space<semaphore_mem>>)
      %mul3A_55 = arith.constant 2 : i32
      %mul3A_56 = arith.muli %mul3A_55, %scan3A_29 : i32
      %add3A_57 = arith.constant 1 : i32
      %add3A_58 = arith.addi %mul3A_56, %add3A_57 : i32
      %lt3A = arith.constant 12 : i32
      %lt3A_59 = arith.cmpi slt, %scan3A_29, %lt3A : i32
      %convert_element_type3A_60 = arith.extui %lt3A_59 : i1 to i32
      %cond3A_61 = arith.constant 0 : i32
      %cond3A_62 = arith.cmpi ne, %convert_element_type3A_60, %cond3A_61 : i32
      scf.if %cond3A_62 {
        %dma_wait3A_78 = arith.constant 0 : i32
        %dma_wait3A_79 = arith.constant 0 : i32
        %dma_wait3A_80 = arith.constant 0 : i32
        %dma_wait3A_81 = tpu.memref_slice %arg4[%dma_wait3A_78, %dma_wait3A_79, %dma_wait3A_80] : memref<26x16384x128xf32, #tpu.memory_space<hbm>> -> memref<1x512x32xf32, #tpu.memory_space<hbm>>
        %dma_wait3A_82 = tpu.memref_squeeze %dma_wait3A_81 : memref<1x512x32xf32, #tpu.memory_space<hbm>> -> memref<512x32xf32, #tpu.memory_space<hbm>>
        %dma_wait3A_83 = arith.constant 0 : i32
        %dma_wait3A_84 = arith.constant 0 : i32
        %dma_wait3A_85 = tpu.memref_slice %arg4[%dma_wait3A_78, %dma_wait3A_83, %dma_wait3A_84] : memref<26x16384x128xf32, #tpu.memory_space<hbm>> -> memref<1x512x32xf32, #tpu.memory_space<hbm>>
        %dma_wait3A_86 = tpu.memref_squeeze %dma_wait3A_85 : memref<1x512x32xf32, #tpu.memory_space<hbm>> -> memref<512x32xf32, #tpu.memory_space<hbm>>
        tpu.wait_dma2 semaphore(%arg10 : memref<!tpu.dma_semaphore, #tpu.memory_space<semaphore_mem>>) src(%arg6 : memref<512x32xf32, #tpu.memory_space<vmem>>) dst(%dma_wait3A_86 : memref<512x32xf32, #tpu.memory_space<hbm>>)
        %add3A_87 = arith.constant 1 : i32
        %add3A_88 = arith.addi %add3A_58, %add3A_87 : i32
        %dma_start3A_89 = arith.constant 0 : i32
        %dma_start3A_90 = tpu.memref_slice %arg5[%add3A_88, %dma_start3A_89] : memref<26x512xi32, #tpu.memory_space<vmem>> -> memref<1x512xi32, #tpu.memory_space<vmem>>
        %dma_start3A_91 = tpu.memref_squeeze %dma_start3A_90 : memref<1x512xi32, #tpu.memory_space<vmem>> -> memref<512xi32, #tpu.memory_space<vmem>>
        %dma_start3A_92 = arith.constant 0 : i32
        %dma_start3A_93 = arith.constant 0 : i32
        %dma_start3A_94 = tpu.memref_slice %arg2[%dma_start3A_92, %dma_start3A_93] : memref<4000000x32xf32, #tpu.memory_space<hbm>> -> memref<4000000x32xf32, #tpu.memory_space<hbm>>
        tpu.enqueue_indirect_dma source(%dma_start3A_94 : memref<4000000x32xf32, #tpu.memory_space<hbm>>) target(%arg6 : memref<512x32xf32, #tpu.memory_space<vmem>>) offsets(%dma_start3A_91 : memref<512xi32, #tpu.memory_space<vmem>>) semaphore(%arg8 : memref<!tpu.dma_semaphore, #tpu.memory_space<semaphore_mem>>)
      } else {
      }
      %dma_wait3A_63 = arith.constant 0 : i32
      %dma_wait3A_64 = arith.constant 0 : i32
      %dma_wait3A_65 = tpu.memref_slice %arg5[%dma_wait3A_63, %dma_wait3A_64] : memref<26x512xi32, #tpu.memory_space<vmem>> -> memref<1x512xi32, #tpu.memory_space<vmem>>
      %dma_wait3A_66 = tpu.memref_squeeze %dma_wait3A_65 : memref<1x512xi32, #tpu.memory_space<vmem>> -> memref<512xi32, #tpu.memory_space<vmem>>
      %dma_wait3A_67 = arith.constant 0 : i32
      %dma_wait3A_68 = arith.constant 0 : i32
      %dma_wait3A_69 = tpu.memref_slice %arg2[%dma_wait3A_67, %dma_wait3A_68] : memref<4000000x32xf32, #tpu.memory_space<hbm>> -> memref<4000000x32xf32, #tpu.memory_space<hbm>>
      tpu.wait_indirect_dma semaphore(%arg9 : memref<!tpu.dma_semaphore, #tpu.memory_space<semaphore_mem>>) src(%dma_wait3A_69 : memref<4000000x32xf32, #tpu.memory_space<hbm>>) dst(%arg7 : memref<512x32xf32, #tpu.memory_space<vmem>>)
      %mul3A_70 = arith.constant 512 : i32
      %mul3A_71 = arith.muli %add3A, %mul3A_70 : i32
      %dma_start3A_72 = arith.constant 0 : i32
      %dma_start3A_73 = tpu.memref_slice %arg4[%add3A_58, %mul3A_71, %dma_start3A_72] : memref<26x16384x128xf32, #tpu.memory_space<hbm>> -> memref<1x512x32xf32, #tpu.memory_space<hbm>>
      %dma_start3A_74 = tpu.memref_squeeze %dma_start3A_73 : memref<1x512x32xf32, #tpu.memory_space<hbm>> -> memref<512x32xf32, #tpu.memory_space<hbm>>
      %dma_start3A_75 = arith.constant 0 : i32
      %dma_start3A_76 = tpu.memref_slice %arg4[%add3A_58, %mul3A_71, %dma_start3A_75] : memref<26x16384x128xf32, #tpu.memory_space<hbm>> -> memref<1x512x32xf32, #tpu.memory_space<hbm>>
      %dma_start3A_77 = tpu.memref_squeeze %dma_start3A_76 : memref<1x512x32xf32, #tpu.memory_space<hbm>> -> memref<512x32xf32, #tpu.memory_space<hbm>>
      tpu.enqueue_dma source(%arg7 : memref<512x32xf32, #tpu.memory_space<vmem>>) target(%dma_start3A_77 : memref<512x32xf32, #tpu.memory_space<hbm>>) target_semaphore(%arg11 : memref<!tpu.dma_semaphore, #tpu.memory_space<semaphore_mem>>)
    }
    %scan3A_11 = arith.constant 13 : i32
    %dma_wait3A = arith.constant 0 : i32
    %dma_wait3A_12 = arith.constant 0 : i32
    %dma_wait3A_13 = arith.constant 0 : i32
    %dma_wait3A_14 = tpu.memref_slice %arg4[%dma_wait3A, %dma_wait3A_12, %dma_wait3A_13] : memref<26x16384x128xf32, #tpu.memory_space<hbm>> -> memref<1x512x32xf32, #tpu.memory_space<hbm>>
    %dma_wait3A_15 = tpu.memref_squeeze %dma_wait3A_14 : memref<1x512x32xf32, #tpu.memory_space<hbm>> -> memref<512x32xf32, #tpu.memory_space<hbm>>
    %dma_wait3A_16 = arith.constant 0 : i32
    %dma_wait3A_17 = arith.constant 0 : i32
    %dma_wait3A_18 = tpu.memref_slice %arg4[%dma_wait3A, %dma_wait3A_16, %dma_wait3A_17] : memref<26x16384x128xf32, #tpu.memory_space<hbm>> -> memref<1x512x32xf32, #tpu.memory_space<hbm>>
    %dma_wait3A_19 = tpu.memref_squeeze %dma_wait3A_18 : memref<1x512x32xf32, #tpu.memory_space<hbm>> -> memref<512x32xf32, #tpu.memory_space<hbm>>
    tpu.wait_dma2 semaphore(%arg10 : memref<!tpu.dma_semaphore, #tpu.memory_space<semaphore_mem>>) src(%arg6 : memref<512x32xf32, #tpu.memory_space<vmem>>) dst(%dma_wait3A_19 : memref<512x32xf32, #tpu.memory_space<hbm>>)
    %dma_wait3A_20 = arith.constant 0 : i32
    %dma_wait3A_21 = arith.constant 0 : i32
    %dma_wait3A_22 = arith.constant 0 : i32
    %dma_wait3A_23 = tpu.memref_slice %arg4[%dma_wait3A_20, %dma_wait3A_21, %dma_wait3A_22] : memref<26x16384x128xf32, #tpu.memory_space<hbm>> -> memref<1x512x32xf32, #tpu.memory_space<hbm>>
    %dma_wait3A_24 = tpu.memref_squeeze %dma_wait3A_23 : memref<1x512x32xf32, #tpu.memory_space<hbm>> -> memref<512x32xf32, #tpu.memory_space<hbm>>
    %dma_wait3A_25 = arith.constant 0 : i32
    %dma_wait3A_26 = arith.constant 0 : i32
    %dma_wait3A_27 = tpu.memref_slice %arg4[%dma_wait3A_20, %dma_wait3A_25, %dma_wait3A_26] : memref<26x16384x128xf32, #tpu.memory_space<hbm>> -> memref<1x512x32xf32, #tpu.memory_space<hbm>>
    %dma_wait3A_28 = tpu.memref_squeeze %dma_wait3A_27 : memref<1x512x32xf32, #tpu.memory_space<hbm>> -> memref<512x32xf32, #tpu.memory_space<hbm>>
    tpu.wait_dma2 semaphore(%arg11 : memref<!tpu.dma_semaphore, #tpu.memory_space<semaphore_mem>>) src(%arg7 : memref<512x32xf32, #tpu.memory_space<vmem>>) dst(%dma_wait3A_28 : memref<512x32xf32, #tpu.memory_space<hbm>>)
    return
  }
}

</mosaic_0001>

<sc_bundles>
// kernel: _gather.3.cloned.1.call-start
scs
__scs_entry_jumppad:
0x0: {  	(pc) =	sbr.rel $0x88, $3  }
0x1: {  	(tag) =	ssettag $0x0;
	lr =	simm.s32 $0x1  }
0x2: {  	[smem:$0x3F9F] =	sst lr;
	_ =	strace $0xD0000000  }
0x3: {  	_ = 	snop  }
0x4: {  	_ = 	snop  }
0x5: {  	_ = 	snop  }
0x6: {  	_ = 	snop  }
0x7: {  	_ = 	snop  }
__scs_overlays_trampoline_lowered:
0x8: {  	[smem:$0x3FAE] =	sst s0  }
0x9: {  	[smem:$0x3FAF] =	sst s1  }
0xa: {  	[smem:$0x3FB0] =	sst s2  }
0xb: {  	[smem:$0x3FB1] =	sst s3  }
0xc: {  	[smem:$0x3FB2] =	sst s4  }
0xd: {  	[smem:$0x3FB3] =	sst s5  }
0xe: {  	[smem:$0x3FB4] =	sst s6  }
0xf: {  	[smem:$0x3FB5] =	sst s7  }
0x10: {  	[smem:$0x3FB6] =	sst s8  }
0x11: {  	[smem:$0x3FB7] =	sst s9;
	s0 =	simm.s32 @!p0 $0x0  }
0x12: {  	s1 =	sld [smem:$0x3F9D];
	s0 =	simm.s32 @p0 $0x1  }
0x13: {  	[smem:$0x3FB8] =	sst s0;
	s0 =	simm.s32 @!p1 $0x0  }
0x14: {  	s2 =	sld [smem:$0x3F9C];
	s0 =	simm.s32 @p1 $0x1  }
0x15: {  	[smem:$0x3FB9] =	sst s0;
	s0 =	simm.s32 @!p2 $0x0  }
0x16: {  	s3 =	sld [smem:$0x3FDB];
	s0 =	simm.s32 @p2 $0x1  }
0x17: {  	s4 =	simm.s32 $0x1BF5;
	[smem:$0x3FBB] =	sst s0  }
0x18: {  	s0 =	sld [smem:$0x3F9E];
	_ =	swait.ge [sflag:s4], $0x0  }
0x19: {  	s7 =	sld [smem:$0x3F9F]  }
0x1a: {  	s8 =	sadd.s32 $0xFFFFE003, lr  }
0x1b: {  	s9 =	sadd.s32 $0xFFFFFEF7, lr;
	s5 =	simm.s32 $0xFFFFFFFF;
	p2 =	slt.u32 s8, $0xFFFFF086  }
0x1c: {  	p1 =	slt.u32 s9, $0xF7A;
	s5 =	simm.s32 @!p2 $0x0  }
0x1d: {  	s5 =	simm.s32 @p1 $0x1;
	p0 =	seq.s32 s7, s2  }
0x1e: {  	s7 =	smul.u32 @!p0 $0xF7A, s2;
	p2 =	seq.s32 @!p0 s5, $0x0  }
0x1f: {  	s9 =	smul.u32 $0xF7A, s1;
	s8 =	simm.s32 @!p0 $0x1BF5;
	p2 =	por !p2, p0  }
0x20: {  	[sflag:s8] =	ssyncset.s32 @!p0 $0xFFFFF086;
	s6 =	sadd.s32 @!p0 s3, s7;
	s7 =	simm.s32 @!p0 $0x108  }
0x21: {  	s3 =	sadd.s32 s3, s9;
	s6 =	sadd.s32 @!p0 $0x88, s6;
	s7 =	simm.s32 @p2 $0x1082  }
0x22: {  	[simem:s7], [sflag:s8] =	dma.local @!p0 [hbm:s6], $0xF7A  }
0x23: {  	s9 =	sor.u32 $0xD0000000, s2;
	s6 =	simm.s32 $0x108;
	_ =	swait.ge @!p0 [sflag:s8], $0x0  }
0x24: {  	s3 =	sadd.s32 $0x88, s3;
	s6 =	simm.s32 @!p1 $0x1082;
	[sflag:s4] =	ssyncset.s32 $0xFFFFF086  }
0x25: {  	[simem:s6], [sflag:s4] =	dma.local [hbm:s3], $0xF7A  }
0x26: {  	[smem:$0x3F9F] =	sst s1;
	(tag) =	ssettag s2;
	_ =	strace s9  }
0x27: {  	s1 =	sld [smem:$0x3FAF]  }
0x28: {  	s2 =	sld [smem:$0x3FB0]  }
0x29: {  	s4 =	sld [smem:$0x3FB2]  }
0x2a: {  	p0 =	seq.s32 s5, $0x0;
	s5 =	sld [smem:$0x3FB3]  }
0x2b: {  	s6 =	sld [smem:$0x3FB4]  }
0x2c: {  	s7 =	sld [smem:$0x3FB5]  }
0x2d: {  	s3 =	simm.s32 $0x108;
	s8 =	sld [smem:$0x3FB6]  }
0x2e: {  	s3 =	simm.s32 @!p0 $0x1082;
	s9 =	sld [smem:$0x3FB7]  }
0x2f: {  	lr =	sadd.s32 s0, s3;
	s0 =	sld [smem:$0x3FAE]  }
0x30: {  	s3 =	sld [smem:$0x3FB1]  }
0x31: {  	[smem:$0x3FBA] =	sst s10  }
0x32: {  	s10 =	sld [smem:$0x3FB8];
	_ =	sdelay $0x3  }
0x33: {  	p0 =	seq.s32 s10, $0x1;
	s10 =	sld [smem:$0x3FBA];
	_ =	sdelay $0x3  }
0x34: {  	[smem:$0x3FBA] =	sst s10  }
0x35: {  	s10 =	sld [smem:$0x3FB9];
	_ =	sdelay $0x3  }
0x36: {  	p1 =	seq.s32 s10, $0x1;
	s10 =	sld [smem:$0x3FBA];
	_ =	sdelay $0x3  }
0x37: {  	[smem:$0x3FBA] =	sst s10  }
0x38: {  	s10 =	sld [smem:$0x3FBB]  }
0x39: {  	_ = 	snop;
	(pc) =	sbr.ind lr, $3  }
0x3a: {  	_ = 	snop  }
0x3b: {  	_ = 	snop  }
0x3c: {  	p2 =	seq.s32 s10, $0x1;
	s10 =	sld [smem:$0x3FBA]  }
0x3d: {  	_ =	shalt  }
0x3e: {  	_ =	shalt  }
0x3f: {  	_ =	shalt  }
0x40: {  	_ =	shalt  }
0x41: {  	_ =	shalt  }
0x42: {  	_ =	shalt  }
0x43: {  	_ =	shalt  }
0x44: {  	_ =	shalt  }
0x45: {  	_ =	shalt  }
0x46: {  	_ =	shalt  }
0x47: {  	_ =	shalt  }
0x48: {  	_ =	shalt  }
0x49: {  	_ =	shalt  }
0x4a: {  	_ =	shalt  }
0x4b: {  	_ =	shalt  }
0x4c: {  	_ =	shalt  }
0x4d: {  	_ =	shalt  }
0x4e: {  	_ =	shalt  }
0x4f: {  	_ =	shalt  }
0x50: {  	_ =	shalt  }
0x51: {  	_ =	shalt  }
0x52: {  	_ =	shalt  }
0x53: {  	_ =	shalt  }
0x54: {  	_ =	shalt  }
0x55: {  	_ =	shalt  }
0x56: {  	_ =	shalt  }
0x57: {  	_ =	shalt  }
0x58: {  	_ =	shalt  }
0x59: {  	_ =	shalt  }
0x5a: {  	_ =	shalt  }
0x5b: {  	_ =	shalt  }
0x5c: {  	_ =	shalt  }
0x5d: {  	_ =	shalt  }
0x5e: {  	_ =	shalt  }
0x5f: {  	_ =	shalt  }
0x60: {  	_ =	shalt  }
0x61: {  	_ =	shalt  }
0x62: {  	_ =	shalt  }
0x63: {  	_ =	shalt  }
0x64: {  	_ =	shalt  }
0x65: {  	_ =	shalt  }
0x66: {  	_ =	shalt  }
0x67: {  	_ =	shalt  }
0x68: {  	_ =	shalt  }
0x69: {  	_ =	shalt  }
0x6a: {  	_ =	shalt  }
0x6b: {  	_ =	shalt  }
0x6c: {  	_ =	shalt  }
0x6d: {  	_ =	shalt  }
0x6e: {  	_ =	shalt  }
0x6f: {  	_ =	shalt  }
0x70: {  	_ =	shalt  }
0x71: {  	_ =	shalt  }
0x72: {  	_ =	shalt  }
0x73: {  	_ =	shalt  }
0x74: {  	_ =	shalt  }
0x75: {  	_ =	shalt  }
0x76: {  	_ =	shalt  }
0x77: {  	_ =	shalt  }
0x78: {  	_ =	shalt  }
0x79: {  	_ =	shalt  }
0x7a: {  	_ =	shalt  }
0x7b: {  	_ =	shalt  }
0x7c: {  	_ =	shalt  }
0x7d: {  	_ =	shalt  }
0x7e: {  	_ =	shalt  }
0x7f: {  	_ =	shalt  }
0x80: {  	_ =	shalt  }
0x81: {  	_ =	shalt  }
0x82: {  	_ =	shalt  }
0x83: {  	_ =	shalt  }
0x84: {  	_ =	shalt  }
0x85: {  	_ =	shalt  }
0x86: {  	_ =	shalt  }
0x87: {  	_ =	shalt  }
.Lfunc_end0:
.L_simem_size_0:
called_computation_lowered:
.L_overlay_start_0:
0x88: {  	s2 =	sld [smem:$0x3FD9]  }
0x89: {  	s3 =	sld [smem:$0x3FFE];
	_ =	sdelay $0x1  }
0x8a: {  	s1 =	srdreg.scid  }
0x8b: {  	s0 =	sand.u32 $0x1, s1  }
0x8c: {  	s17 =	sshll.u32 s0, $0xA;
	s2 =	sadd.s32 s3, s2  }
0x8d: {  	s2 =	sadd.s32 s2, s17  }
0x8e: {  	[smem:$0x3FC6] =	sst s2  }
0x8f: {  	_ = 	snop  }
0x90: {  	s2 =	sld [smem:$0x3FD0];
	(tm) =	ssettm $0x1  }
0x91: {  	s18 =	sld [smem:$0x3FFB];
	_ =	sdelay $0x3  }
0x92: {  	_ =	strace s18  }
0x93: {  	s3 =	sld [smem:$0x3FFC];
	_ =	sdelay $0x3  }
0x94: {  	_ =	strace s3  }
0x95: {  	s3 =	sld [smem:$0x3FFD];
	_ =	sdelay $0x3  }
0x96: {  	_ =	strace s3  }
0x97: {  	_ =	strace $0x8FFFFFFF  }
0x98: {  	s19 =	sld [smem:$0x3FDB];
	_ =	sdelay $0x1  }
0x99: {  	s4 =	simm.s32 $_scs_section_size  }
0x9a: {  	s5 =	simm.s32 $_size__tile_overlayer_lowered;
	s6 =	simm.s32 $_tile_overlayer_lowered  }
0x9b: {  	s22 =	simm.s32 $0x1BFF;
	s21 =	sshll.u32 s6, $0x1;
	s3 =	sadd.s32 s4, s19  }
0x9c: {  	s7 =	simm.s32 $0x0;
	s20 =	sshll.u32 s5, $0x1;
	s5 =	sadd.s32 s21, s3  }
0x9d: {  	[timem:s7], [sflag:s22] =	dma.local [hbm:s5], s20  }
0x9e: {  	_ =	swait.ge [sflag:s22], s20  }
0x9f: {  	s4 =	ssub.s32 $0x0, s20;
	[sflag:s22] =	ssyncset.done $0x0  }
0xa0: {  	[sflag:s22] =	ssyncadd.s32 s4;
	_ =	sdelay $0x1  }
0xa1: {  	s23 =	simm.s32 $0x1B8B  }
0xa2: {  	_ =	swait.ge [sflag:s23], $0x1  }
0xa3: {  	[sflag:s23] =	ssyncset.done $0x0  }
0xa4: {  	s25 =	simm.s32 $0x1B8E;
	s24 =	sld [smem:$0x3FFE];
	[sflag:s23] =	ssyncadd.s32 $0xFFFFFFFF  }
0xa5: {  	s26 =	simm.s32 $execute0_lowered;
	[smem:$0x3FD2] =	sst s25  }
0xa6: {  	s5 =	sshll.u32 s26, $0x1;
	_ =	strace $0x80000046;
	[dreg:$0x1] =	wrdreg $0xFFFFFFFF  }
0xa7: {  	s28 =	simm.s32 $_size_execute0_lowered;
	s3 =	sadd.s32 s3, s5;
	[dreg:$0x0] =	wrdreg $0x0  }
0xa8: {  	s5 =	sshll.u32 s28, $0x1;
	[dreg:$0x2] =	wrdreg s3  }
0xa9: {  	[dreg:$0x3] =	wrdreg s5  }
0xaa: {  	[dreg:$0x4] =	wrdreg $0xC0  }
0xab: {  	_ =	task [dreg:s7], $0x5FFFF  }
0xac: {  	[dreg:$0x1] =	wrdreg $0xFFFFFFFF  }
0xad: {  	[dreg:$0x0] =	wrdreg $0x60  }
0xae: {  	[dreg:$0x2] =	wrdreg s24  }
0xaf: {  	[dreg:$0x3] =	wrdreg s2  }
0xb0: {  	[dreg:$0x4] =	wrdreg $0x9  }
0xb1: {  	_ =	task.clear_ibuf [dreg:s7], $0x5FFFF;
	_ =	strace $0x90000046  }
0xb2: {  	s29 =	simm.s32 $0x9;
	_ =	strace $0x80000048  }
0xb3: {  	_ =	swait.ge [sflag:s29], $0x1  }
0xb4: {  	[sflag:s29] =	ssyncadd.s32 $0xFFFFFFFF  }
0xb5: {  	_ =	strace $0x90000048  }
0xb6: {  	_ =	sfence  }
0xb7: {  	s30 =	sld [smem:$0x0];
	_ =	sdelay $0x2  }
0xb8: {  	s31 =	sshll.u32 s1, $0xD;
	s1 =	sshrl.u32 s1, $0x2  }
0xb9: {  	s3 =	sand.u32 $0x4000, s31;
	s1 =	sadd.s32 s1, s30  }
0xba: {  	s0 =	sor.u32 s3, s0;
	s1 =	sshll.u32 s1, $0x11  }
0xbb: {  	s0 =	sor.u32 s1, s0  }
0xbc: {  	s0 =	sadd.s32 $0x8F2B, s0  }
0xbd: {  	[sflag:s0] =	ssyncadd.remote.s32 $0x1  }
0xbe: {  	_ =	sfence.sel $0xFFFF  }
0xbf: {  	[dreg:$0x0] =	wrdreg $0xFFFFFFFF;
	(pc) =	sbr.abs _section_cstart, $3  }
0xc0: {  	[dreg:$0x1] =	wrdreg $0xFFFFFFFF  }
0xc1: {  	_ =	task.clear_ibuf [dreg:s7], $0x2FFFF;
	_ =	strace $0x9FFFFFFF  }
0xc2: {  	(tm) =	ssettm $0x7FFFFFFF  }
0xc3: {  	_ =	shalt  }
tec
execute0_lowered:
.L_overlay_start_1:
0x0: {  	(tag) =	ssettag $0x1  }
0x1: {  	s4 =	rddreg [dreg:$0x0];
	s1 =	srdreg.scid  }
0x2: {  	s0 =	stileid.u32;
	s9 =	rddreg [dreg:$0x1]  }
0x3: {  	s2 =	simm.s32 $0x0;
	s14 =	simm.s32 $0x7400;
	s15 =	simm.s32 $0x1  }
0x4: {  	s16 =	simm.s32 $0x20;
	s17 =	simm.s32 $0x80;
	s18 =	simm.s32 $0x3  }
0x5: {  	s19 =	simm.s32 $0x400;
	s20 =	simm.s32 $0x2;
	s21 =	simm.s32 $0x4  }
0x6: {  	s22 =	simm.s32 $0x3200;
	s10 =	sand.u32 $0x1, s1;
	s1 =	rddreg [dreg:$0x2]  }
0x7: {  	s23 =	simm.s32 $0x0;
	s3 =	sshll.u32 s0, $0x1;
	[smem:$0x7FF] =	sst s2  }
0x8: {  	s11 =	sadd.s32 $0x40000, s9;
	s13 =	sshll.u32 s0, $0xE;
	s5 =	sor.u32 s10, s3  }
0x9: {  	_ =	strace $0x80000047;
	s7 =	ssub.s32 $0x2, s10;
	s3 =	sadd.s32 $0x3D09600, s4  }
0xa: {  	s13 =	sadd.s32 s13, s9;
	s10 =	sshll.u32 s10, $0xD;
	s6 =	smul.u32 $0x680, s5  }
0xb: {  	s31 =	sshrl.u32 s7, $0x1;
	s8 =	sshll.u32 s5, $0xD;
	s10 =	sadd.s32 s10, s13  }
0xc: {  	s13 =	simm.s32 $0x3400;
	s12 =	sor.u32 $0x600000, s8;
	s4 =	sadd.s32 s6, s4  }
0xd: {  	s6 =	ssub.s32 s7, s31;
	s7 =	sadd.s32 s8, s11;
	s4 =	sadd.s32 $0x600, s4  }
0xe: {  	s5 =	smax.u32 s6, $0x1;
	s6 =	sadd.s32 s9, s8;
	s8 =	sadd.s32 s9, s12  }
0xf: {  	s9 =	sadd.s32 s12, s11;
	s11 =	simm.s32 $0x5;
	s12 =	simm.s32 $0x200  }
.LBB2_1:
0x10: {  	[tilespmem:s2], [sflag:$0x5] =	stream.linear.gather [hbm4b:s4+s2], $0x3400, $0x38;
	[tilespmem:$0xB400] =	vst v63  }
0x11: {  	_ =	swait.ge [sflag:s11], $0x3400  }
0x12: {  	[sflag:s11] =	ssyncset.done $0x0  }
0x13: {  	[sflag:s11] =	ssyncadd.s32 $0xFFFFCC00  }
0x14: {  	[tilespmem:s13], [sflag:$0x1] =	stream.indirect.gather [hbm4b:s3+s12], $0x20, s2, s12, $0xb8;
	[tilespmem:$0xB400] =	vst v63  }
0x15: {  	_ = 	snop  }
0x16: {  	[tilespmem:s14], [sflag:$0x2] =	stream.indirect.gather [hbm4b:s3+s12], $0x20, s12, s12, $0xb8;
	[tilespmem:$0xB400] =	vst v63  }
0x17: {  	_ =	swait.ge [sflag:s15], $0x4000  }
0x18: {  	[sflag:s15] =	ssyncset.done $0x0  }
0x19: {  	[sflag:s15] =	ssyncadd.s32 $0xFFFFC000  }
0x1a: {  	[hbm4b:s6+s16] =	stream.strided.scatter [tilespmem:s13], [sflag:$0x3], $0x4000, s17, s16, $0x38;
	[tilespmem:$0xB400] =	vst v63  }
0x1b: {  	_ =	swait.ge [sflag:s18], $0x4000  }
0x1c: {  	[sflag:s18] =	ssyncset.done $0x0  }
0x1d: {  	[sflag:s18] =	ssyncadd.s32 $0xFFFFC000  }
0x1e: {  	[tilespmem:s13], [sflag:$0x1] =	stream.indirect.gather [hbm4b:s3+s12], $0x20, s19, s12, $0xb8;
	[tilespmem:$0xB400] =	vst v63  }
0x1f: {  	_ =	swait.ge [sflag:s20], $0x4000  }
0x20: {  	[sflag:s20] =	ssyncset.done $0x0  }
0x21: {  	[sflag:s20] =	ssyncadd.s32 $0xFFFFC000  }
0x22: {  	[hbm4b:s7+s16] =	stream.strided.scatter [tilespmem:s14], [sflag:$0x4], $0x4000, s17, s16, $0x38;
	[tilespmem:$0xB400] =	vst v63  }
0x23: {  	_ =	swait.ge [sflag:s21], $0x4000  }
0x24: {  	[sflag:s21] =	ssyncset.done $0x0  }
0x25: {  	s24 =	simm.s32 $0x600;
	[sflag:s21] =	ssyncadd.s32 $0xFFFFC000  }
0x26: {  	[tilespmem:s14], [sflag:$0x2] =	stream.indirect.gather [hbm4b:s3+s12], $0x20, s24, s12, $0xb8;
	[tilespmem:$0xB400] =	vst v63  }
0x27: {  	_ =	swait.ge [sflag:s15], $0x4000  }
0x28: {  	s25 =	sadd.s32 $0x0, s10;
	[sflag:s15] =	ssyncset.done $0x0  }
0x29: {  	s30 =	sadd.s32 $0x80000, s25;
	[sflag:s15] =	ssyncadd.s32 $0xFFFFC000  }
0x2a: {  	[hbm4b:s30+s16] =	stream.strided.scatter [tilespmem:s13], [sflag:$0x3], $0x4000, s17, s16, $0x38;
	[tilespmem:$0xB400] =	vst v63  }
0x2b: {  	_ =	swait.ge [sflag:s18], $0x4000  }
0x2c: {  	[sflag:s18] =	ssyncset.done $0x0  }
0x2d: {  	s31 =	simm.s32 $0x800;
	[sflag:s18] =	ssyncadd.s32 $0xFFFFC000  }
0x2e: {  	[tilespmem:s13], [sflag:$0x1] =	stream.indirect.gather [hbm4b:s3+s12], $0x20, s31, s12, $0xb8;
	[tilespmem:$0xB400] =	vst v63  }
0x2f: {  	_ =	swait.ge [sflag:s20], $0x4000  }
0x30: {  	s26 =	sadd.s32 $0xC0000, s25;
	[sflag:s20] =	ssyncset.done $0x0  }
0x31: {  	s25 =	simm.s32 $0xC00;
	s24 =	simm.s32 $0x80000;
	[sflag:s20] =	ssyncadd.s32 $0xFFFFC000  }
.LBB2_2:
0x32: {  	[hbm4b:s26+s16] =	stream.strided.scatter [tilespmem:s14], [sflag:$0x4], $0x4000, s17, s16, $0x38;
	[tilespmem:$0xB400] =	vst v63  }
0x33: {  	s26 =	smov.u32 s24  }
0x34: {  	p0 =	sne.s32 s24, $0x500000;
	s24 =	sadd.s32 $0x80000, s24;
	_ =	swait.ge [sflag:s21], $0x4000  }
0x35: {  	[sflag:s21] =	ssyncset.done $0x0  }
0x36: {  	s28 =	sadd.s32 $0xFFFFFE00, s25;
	[sflag:s21] =	ssyncadd.s32 $0xFFFFC000  }
0x37: {  	[tilespmem:s14], [sflag:$0x2] =	stream.indirect.gather [hbm4b:s3+s12], $0x20, s28, s12, $0xb8;
	[tilespmem:$0xB400] =	vst v63  }
0x38: {  	_ =	swait.ge [sflag:s15], $0x4000  }
0x39: {  	s26 =	sadd.s32 s26, s10;
	[sflag:s15] =	ssyncset.done $0x0  }
0x3a: {  	s28 =	sadd.s32 $0x80000, s26;
	[sflag:s15] =	ssyncadd.s32 $0xFFFFC000  }
0x3b: {  	[hbm4b:s28+s16] =	stream.strided.scatter [tilespmem:s13], [sflag:$0x3], $0x4000, s17, s16, $0x38;
	[tilespmem:$0xB400] =	vst v63  }
0x3c: {  	_ =	swait.ge [sflag:s18], $0x4000  }
0x3d: {  	[sflag:s18] =	ssyncset.done $0x0  }
.Ltmp0:
0x3e: {  	[sflag:s18] =	ssyncadd.s32 $0xFFFFC000;
	(pc) =	sbr.rel @p0 .LBB2_2-.Ltmp0, $4  }
0x3f: {  	[tilespmem:s13], [sflag:$0x1] =	stream.indirect.gather [hbm4b:s3+s12], $0x20, s25, s12, $0xb8;
	[tilespmem:$0xB400] =	vst v63  }
0x40: {  	_ =	swait.ge [sflag:s20], $0x4000  }
0x41: {  	[sflag:s20] =	ssyncset.done $0x0  }
0x42: {  	s26 =	sadd.s32 $0xC0000, s26;
	s25 =	sadd.s32 $0x400, s25;
	[sflag:s20] =	ssyncadd.s32 $0xFFFFC000  }
0x43: {  	[hbm4b:s26+s16] =	stream.strided.scatter [tilespmem:s14], [sflag:$0x4], $0x4000, s17, s16, $0x38;
	[tilespmem:$0xB400] =	vst v63  }
0x44: {  	_ =	swait.ge [sflag:s21], $0x4000  }
0x45: {  	[sflag:s21] =	ssyncset.done $0x0  }
0x46: {  	[sflag:s21] =	ssyncadd.s32 $0xFFFFC000  }
0x47: {  	[tilespmem:s14], [sflag:$0x2] =	stream.indirect.gather [hbm4b:s3+s12], $0x20, s22, s12, $0xb8;
	[tilespmem:$0xB400] =	vst v63  }
0x48: {  	_ =	swait.ge [sflag:s15], $0x4000  }
0x49: {  	[sflag:s15] =	ssyncset.done $0x0  }
0x4a: {  	[sflag:s15] =	ssyncadd.s32 $0xFFFFC000  }
0x4b: {  	[hbm4b:s8+s16] =	stream.strided.scatter [tilespmem:s13], [sflag:$0x3], $0x4000, s17, s16, $0x38;
	[tilespmem:$0xB400] =	vst v63  }
0x4c: {  	_ =	swait.ge [sflag:s20], $0x4000  }
0x4d: {  	[sflag:s20] =	ssyncset.done $0x0  }
0x4e: {  	s23 =	sadd.s32 $0x1, s23;
	[sflag:s20] =	ssyncadd.s32 $0xFFFFC000  }
0x4f: {  	[hbm4b:s9+s16] =	stream.strided.scatter [tilespmem:s14], [sflag:$0x4], $0x4000, s17, s16, $0x38;
	[tilespmem:$0xB400] =	vst v63  }
0x50: {  	p0 =	sne.s32 s23, s5;
	_ =	swait.ge [sflag:s18], $0x4000  }
.Ltmp1:
0x51: {  	[sflag:s18] =	ssyncset.done $0x0;
	(pc) =	sbr.rel @p0 .LBB2_1-.Ltmp1, $4  }
0x52: {  	[sflag:s18] =	ssyncadd.s32 $0xFFFFC000  }
0x53: {  	_ =	swait.ge [sflag:s21], $0x4000  }
0x54: {  	[sflag:s21] =	ssyncset.done $0x0  }
0x55: {  	[sflag:s21] =	ssyncadd.s32 $0xFFFFC000  }
0x56: {  	_ =	sfence.sel $0x180000  }
0x57: {  	[bflag:$0x0] =	sbarrier.arrive $0xFFFF  }
0x58: {  	p0 =	sne.s32 s0, $0x0;
	_ =	strace $0x90000047  }
0x59: {  	s0 =	sadd.s32 @!p0 $0x100000, s1;
	[bflag:$0x2] =	sbarrier.arrive $0xFFFF  }
0x5a: {  	[sflag:s0] =	ssyncadd.tile.s32 @!p0 $0x1;
	_ =	shalt  }
.Lfunc_end2:
_tile_overlayer_lowered:
.L_overlay_start_2:
0x5b: {  	(tag) =	ssettag $0x2  }
0x5c: {  	s0 =	rddreg [dreg:$0x0];
	s2 =	stileid.u32  }
0x5d: {  	s1 =	rddreg [dreg:$0x1];
	p0 =	sne.s32 s2, $0x0  }
0x5e: {  	s3 =	rddreg [dreg:$0x2];
	[bflag:$0x3] =	sbarrier.arrive $0xFFFF;
	s2 =	simm.s32 @!p0 $0x1C05  }
0x5f: {  	[timem:s3], [sflag:s2] =	dma.local @!p0 [hbm:s0], s1  }
0x60: {  	s0 =	simm.s32 @!p0 $0x5  }
0x61: {  	_ =	swait.ge @!p0 [sflag:s0], s1  }
0x62: {  	s1 =	ssub.s32 @!p0 $0x0, s1;
	[sflag:s0] =	ssyncset.done @!p0 $0x0  }
0x63: {  	[sflag:s0] =	ssyncadd.s32 @!p0 s1  }
0x64: {  	[bflag:$0x3] =	sbarrier.arrive $0xFFFF  }
0x65: {  	_ =	shalt  }

</sc_bundles>
